<compile_context>
chip_gen: v7x
topology: tpu7x:2x2x1
jax: 0.10.2.dev20260603
libtpu: 0.0.44.dev20260713+nightly
codegen_flags: <defaults>
</compile_context>

<pallas_src>
import functools

import jax
import jax.numpy as jnp
from jax import lax
from jax.experimental import pallas as pl
from jax.experimental.pallas import tpu as pltpu
from jax.experimental.pallas import tpu_sc as plsc

_NUM_CORES = 2
_NUM_SUBCORES = 16
_NUM_WORKERS = _NUM_CORES * _NUM_SUBCORES
_CHUNK = 200
_RING = 4


def _gather_rows(table, idx_flat, n, d):
    mesh = plsc.VectorSubcoreMesh(core_axis_name="c", subcore_axis_name="s")
    b_per_w = n // _NUM_WORKERS
    chunks = b_per_w // _CHUNK
    assert (chunks - 4) % _RING == 0 and chunks >= 8

    @functools.partial(
        pl.kernel,
        out_type=jax.ShapeDtypeStruct((n, d), table.dtype),
        mesh=mesh,
        scratch_types=(
            [pltpu.VMEM((b_per_w,), jnp.int32)]
            + [pltpu.VMEM((_CHUNK, d), table.dtype) for _ in range(_RING)]
            + [pltpu.SemaphoreType.DMA for _ in range(2 * _RING)]
        ),
    )
    def gather_kernel(table_hbm, idx_hbm, out_hbm, idx_v, *bufs):
        rows = bufs[:_RING]
        gsem = bufs[_RING:2 * _RING]
        ssem = bufs[2 * _RING:]
        wid = lax.axis_index("s") * _NUM_CORES + lax.axis_index("c")
        base = wid * b_per_w
        pltpu.sync_copy(idx_hbm.at[pl.ds(base, b_per_w)], idx_v)

        def start_gather(b, c):
            pltpu.async_copy(
                table_hbm.at[idx_v.at[pl.ds(c * _CHUNK, _CHUNK)]],
                rows[b], gsem[b])

        def wait_gather(b):
            pltpu.make_async_copy(
                table_hbm.at[idx_v.at[pl.ds(0, _CHUNK)]],
                rows[b], gsem[b]).wait()

        def start_store(b, c):
            pltpu.async_copy(
                rows[b], out_hbm.at[pl.ds(base + c * _CHUNK, _CHUNK)],
                ssem[b])

        def wait_store(b):
            pltpu.make_async_copy(
                rows[b], out_hbm.at[pl.ds(base, _CHUNK)], ssem[b]).wait()

        start_gather(0, 0)
        start_gather(1, 1)

        for c in (0, 1):
            wait_gather(c % _RING)
            start_store(c % _RING, c)
            start_gather((c + 2) % _RING, c + 2)

        @pl.loop(2, chunks - 2, step=_RING)
        def _(c0):
            for j in range(_RING):
                b = (2 + j) % _RING
                b2 = j % _RING
                c = c0 + j
                wait_gather(b)
                wait_store(b2)
                start_store(b, c)
                start_gather(b2, c + 2)

        for c in (chunks - 2, chunks - 1):
            wait_gather(c % _RING)
            wait_store((c + 2) % _RING)
            start_store(c % _RING, c)
        for c in (chunks - 2, chunks - 1):
            wait_store(c % _RING)

    return gather_kernel(table, idx_flat)


def kernel(x, table):
    b, l = x.shape
    v, d = table.shape
    n = b * l
    idx_flat = x.reshape(n)
    out = _gather_rows(table, idx_flat, n, d)
    return out.reshape(b, l, d)

# --- scband reference (transcript-rebuilt; emitter-appended) ---
"""Pipeline reference for scband-token-embedding-72619307041154 (READ-ONLY COPY).

The authoritative reference and input builder live on the scoring server;
editing this copy changes nothing except your own understanding.
"""

import jax, jax.numpy as jnp
import numpy as np

VOCAB = 100000
DIM = 128
B = 4096
L = 200


def setup_inputs(seed: int = 0) -> dict:
    key = jax.random.key(seed)
    k1, k2 = jax.random.split(key)
    x = jax.random.randint(k1, (B, L), 0, VOCAB, dtype=jnp.int32)
    table = jax.random.normal(k2, (VOCAB, DIM), dtype=jnp.float32)
    # padding_idx=0 -> row 0 is zero-initialized in torch nn.Embedding
    table = table.at[0].set(0.0)
    return {"x": x, "table": table}


def reference(x, table):
    # TokenEmbedding.forward: self.emb(x) == table[x]
    return jnp.take(table, x, axis=0)

if __name__ == "__main__":
    import jax
    _d = setup_inputs()
    print(jax.jit(kernel)(*tuple(_d.values())))

</pallas_src>

<mosaic_0001>
#map = affine_map<(d0, d1) -> (0, 0)>
#map1 = affine_map<(d0, d1) -> (0)>
module attributes {stable_mosaic.version = 14 : i64} {
  func.func @gather_kernel(%arg0: i32, %arg1: i32, %arg2: memref<100000x128xf32, #tpu.memory_space<hbm>>, %arg3: memref<819200xi32, #tpu.memory_space<hbm>>, %arg4: memref<819200x128xf32, #tpu.memory_space<hbm>>, %arg5: memref<25600xi32, #tpu.memory_space<vmem>>, %arg6: memref<200x128xf32, #tpu.memory_space<vmem>>, %arg7: memref<200x128xf32, #tpu.memory_space<vmem>>, %arg8: memref<200x128xf32, #tpu.memory_space<vmem>>, %arg9: memref<200x128xf32, #tpu.memory_space<vmem>>, %arg10: memref<!tpu.dma_semaphore, #tpu.memory_space<semaphore_mem>>, %arg11: memref<!tpu.dma_semaphore, #tpu.memory_space<semaphore_mem>>, %arg12: memref<!tpu.dma_semaphore, #tpu.memory_space<semaphore_mem>>, %arg13: memref<!tpu.dma_semaphore, #tpu.memory_space<semaphore_mem>>, %arg14: memref<!tpu.dma_semaphore, #tpu.memory_space<semaphore_mem>>, %arg15: memref<!tpu.dma_semaphore, #tpu.memory_space<semaphore_mem>>, %arg16: memref<!tpu.dma_semaphore, #tpu.memory_space<semaphore_mem>>, %arg17: memref<!tpu.dma_semaphore, #tpu.memory_space<semaphore_mem>>) attributes {dimension_semantics = [#tpu.dimension_semantics<core_parallel>, #tpu.dimension_semantics<subcore_parallel>], iteration_bounds = array<i64: 2, 16>, scalar_prefetch = 0 : i64, scratch_operands = 13 : i64, tpu.core_type = #tpu.core_type<sc_vector_subcore>, window_params = [{transform_indices = #map}, {transform_indices = #map1}, {transform_indices = #map}]} {
    %mul3A = arith.constant 2 : i32
    %mul3A_0 = arith.muli %arg1, %mul3A : i32
    %add3A = arith.addi %mul3A_0, %arg0 : i32
    %mul3A_1 = arith.constant 25600 : i32
    %mul3A_2 = arith.muli %add3A, %mul3A_1 : i32
    "tpu.region"() ({
      %run_scoped3A = tpu.sem_alloc : memref<!tpu.dma_semaphore, #tpu.memory_space<semaphore_mem>>
      %dma_start3A_85 = tpu.memref_slice %arg3[%mul3A_2] : memref<819200xi32, #tpu.memory_space<hbm>> -> memref<25600xi32, #tpu.memory_space<hbm>>
      %dma_start3A_86 = tpu.memref_slice %arg3[%mul3A_2] : memref<819200xi32, #tpu.memory_space<hbm>> -> memref<25600xi32, #tpu.memory_space<hbm>>
      tpu.enqueue_dma source(%dma_start3A_86 : memref<25600xi32, #tpu.memory_space<hbm>>) target(%arg5 : memref<25600xi32, #tpu.memory_space<vmem>>) target_semaphore(%run_scoped3A : memref<!tpu.dma_semaphore, #tpu.memory_space<semaphore_mem>>)
      %dma_wait3A_87 = tpu.memref_slice %arg3[%mul3A_2] : memref<819200xi32, #tpu.memory_space<hbm>> -> memref<25600xi32, #tpu.memory_space<hbm>>
      %dma_wait3A_88 = tpu.memref_slice %arg3[%mul3A_2] : memref<819200xi32, #tpu.memory_space<hbm>> -> memref<25600xi32, #tpu.memory_space<hbm>>
      tpu.wait_dma2 semaphore(%run_scoped3A : memref<!tpu.dma_semaphore, #tpu.memory_space<semaphore_mem>>) src(%dma_wait3A_88 : memref<25600xi32, #tpu.memory_space<hbm>>) dst(%arg5 : memref<25600xi32, #tpu.memory_space<vmem>>)
      tpu.yield
    }) : () -> ()
    %dma_start3A = arith.constant 0 : i32
    %dma_start3A_3 = tpu.memref_slice %arg5[%dma_start3A] : memref<25600xi32, #tpu.memory_space<vmem>> -> memref<200xi32, #tpu.memory_space<vmem>>
    %dma_start3A_4 = arith.constant 0 : i32
    %dma_start3A_5 = arith.constant 0 : i32
    %dma_start3A_6 = tpu.memref_slice %arg2[%dma_start3A_4, %dma_start3A_5] : memref<100000x128xf32, #tpu.memory_space<hbm>> -> memref<100000x128xf32, #tpu.memory_space<hbm>>
    tpu.enqueue_indirect_dma source(%dma_start3A_6 : memref<100000x128xf32, #tpu.memory_space<hbm>>) target(%arg6 : memref<200x128xf32, #tpu.memory_space<vmem>>) offsets(%dma_start3A_3 : memref<200xi32, #tpu.memory_space<vmem>>) semaphore(%arg10 : memref<!tpu.dma_semaphore, #tpu.memory_space<semaphore_mem>>)
    %dma_start3A_7 = arith.constant 200 : i32
    %dma_start3A_8 = tpu.memref_slice %arg5[%dma_start3A_7] : memref<25600xi32, #tpu.memory_space<vmem>> -> memref<200xi32, #tpu.memory_space<vmem>>
    %dma_start3A_9 = arith.constant 0 : i32
    %dma_start3A_10 = arith.constant 0 : i32
    %dma_start3A_11 = tpu.memref_slice %arg2[%dma_start3A_9, %dma_start3A_10] : memref<100000x128xf32, #tpu.memory_space<hbm>> -> memref<100000x128xf32, #tpu.memory_space<hbm>>
    tpu.enqueue_indirect_dma source(%dma_start3A_11 : memref<100000x128xf32, #tpu.memory_space<hbm>>) target(%arg7 : memref<200x128xf32, #tpu.memory_space<vmem>>) offsets(%dma_start3A_8 : memref<200xi32, #tpu.memory_space<vmem>>) semaphore(%arg11 : memref<!tpu.dma_semaphore, #tpu.memory_space<semaphore_mem>>)
    %dma_wait3A = arith.constant 0 : i32
    %dma_wait3A_12 = tpu.memref_slice %arg5[%dma_wait3A] : memref<25600xi32, #tpu.memory_space<vmem>> -> memref<200xi32, #tpu.memory_space<vmem>>
    %dma_wait3A_13 = arith.constant 0 : i32
    %dma_wait3A_14 = arith.constant 0 : i32
    %dma_wait3A_15 = tpu.memref_slice %arg2[%dma_wait3A_13, %dma_wait3A_14] : memref<100000x128xf32, #tpu.memory_space<hbm>> -> memref<100000x128xf32, #tpu.memory_space<hbm>>
    tpu.wait_indirect_dma semaphore(%arg10 : memref<!tpu.dma_semaphore, #tpu.memory_space<semaphore_mem>>) src(%dma_wait3A_15 : memref<100000x128xf32, #tpu.memory_space<hbm>>) dst(%arg6 : memref<200x128xf32, #tpu.memory_space<vmem>>)
    %add3A_16 = arith.constant 0 : i32
    %add3A_17 = arith.addi %mul3A_2, %add3A_16 : i32
    %dma_start3A_18 = arith.constant 0 : i32
    %dma_start3A_19 = tpu.memref_slice %arg4[%add3A_17, %dma_start3A_18] : memref<819200x128xf32, #tpu.memory_space<hbm>> -> memref<200x128xf32, #tpu.memory_space<hbm>>
    %dma_start3A_20 = arith.constant 0 : i32
    %dma_start3A_21 = tpu.memref_slice %arg4[%add3A_17, %dma_start3A_20] : memref<819200x128xf32, #tpu.memory_space<hbm>> -> memref<200x128xf32, #tpu.memory_space<hbm>>
    tpu.enqueue_dma source(%arg6 : memref<200x128xf32, #tpu.memory_space<vmem>>) target(%dma_start3A_21 : memref<200x128xf32, #tpu.memory_space<hbm>>) target_semaphore(%arg14 : memref<!tpu.dma_semaphore, #tpu.memory_space<semaphore_mem>>)
    %dma_start3A_22 = arith.constant 400 : i32
    %dma_start3A_23 = tpu.memref_slice %arg5[%dma_start3A_22] : memref<25600xi32, #tpu.memory_space<vmem>> -> memref<200xi32, #tpu.memory_space<vmem>>
    %dma_start3A_24 = arith.constant 0 : i32
    %dma_start3A_25 = arith.constant 0 : i32
    %dma_start3A_26 = tpu.memref_slice %arg2[%dma_start3A_24, %dma_start3A_25] : memref<100000x128xf32, #tpu.memory_space<hbm>> -> memref<100000x128xf32, #tpu.memory_space<hbm>>
    tpu.enqueue_indirect_dma source(%dma_start3A_26 : memref<100000x128xf32, #tpu.memory_space<hbm>>) target(%arg8 : memref<200x128xf32, #tpu.memory_space<vmem>>) offsets(%dma_start3A_23 : memref<200xi32, #tpu.memory_space<vmem>>) semaphore(%arg12 : memref<!tpu.dma_semaphore, #tpu.memory_space<semaphore_mem>>)
    %dma_wait3A_27 = arith.constant 0 : i32
    %dma_wait3A_28 = tpu.memref_slice %arg5[%dma_wait3A_27] : memref<25600xi32, #tpu.memory_space<vmem>> -> memref<200xi32, #tpu.memory_space<vmem>>
    %dma_wait3A_29 = arith.constant 0 : i32
    %dma_wait3A_30 = arith.constant 0 : i32
    %dma_wait3A_31 = tpu.memref_slice %arg2[%dma_wait3A_29, %dma_wait3A_30] : memref<100000x128xf32, #tpu.memory_space<hbm>> -> memref<100000x128xf32, #tpu.memory_space<hbm>>
    tpu.wait_indirect_dma semaphore(%arg11 : memref<!tpu.dma_semaphore, #tpu.memory_space<semaphore_mem>>) src(%dma_wait3A_31 : memref<100000x128xf32, #tpu.memory_space<hbm>>) dst(%arg7 : memref<200x128xf32, #tpu.memory_space<vmem>>)
    %add3A_32 = arith.constant 200 : i32
    %add3A_33 = arith.addi %mul3A_2, %add3A_32 : i32
    %dma_start3A_34 = arith.constant 0 : i32
    %dma_start3A_35 = tpu.memref_slice %arg4[%add3A_33, %dma_start3A_34] : memref<819200x128xf32, #tpu.memory_space<hbm>> -> memref<200x128xf32, #tpu.memory_space<hbm>>
    %dma_start3A_36 = arith.constant 0 : i32
    %dma_start3A_37 = tpu.memref_slice %arg4[%add3A_33, %dma_start3A_36] : memref<819200x128xf32, #tpu.memory_space<hbm>> -> memref<200x128xf32, #tpu.memory_space<hbm>>
    tpu.enqueue_dma source(%arg7 : memref<200x128xf32, #tpu.memory_space<vmem>>) target(%dma_start3A_37 : memref<200x128xf32, #tpu.memory_space<hbm>>) target_semaphore(%arg15 : memref<!tpu.dma_semaphore, #tpu.memory_space<semaphore_mem>>)
    %dma_start3A_38 = arith.constant 600 : i32
    %dma_start3A_39 = tpu.memref_slice %arg5[%dma_start3A_38] : memref<25600xi32, #tpu.memory_space<vmem>> -> memref<200xi32, #tpu.memory_space<vmem>>
    %dma_start3A_40 = arith.constant 0 : i32
    %dma_start3A_41 = arith.constant 0 : i32
    %dma_start3A_42 = tpu.memref_slice %arg2[%dma_start3A_40, %dma_start3A_41] : memref<100000x128xf32, #tpu.memory_space<hbm>> -> memref<100000x128xf32, #tpu.memory_space<hbm>>
    tpu.enqueue_indirect_dma source(%dma_start3A_42 : memref<100000x128xf32, #tpu.memory_space<hbm>>) target(%arg9 : memref<200x128xf32, #tpu.memory_space<vmem>>) offsets(%dma_start3A_39 : memref<200xi32, #tpu.memory_space<vmem>>) semaphore(%arg13 : memref<!tpu.dma_semaphore, #tpu.memory_space<semaphore_mem>>)
    %scan3A = arith.constant 0 : i32
    %scan3A_43 = arith.constant 31 : i32
    %scan3A_44 = arith.addi %scan3A, %scan3A_43 : i32
    %scan3A_45 = arith.constant 1 : i32
    scf.for %scan3A_85 = %scan3A to %scan3A_44 step %scan3A_45  : i32 {
      %mul3A_86 = arith.constant 4 : i32
      %mul3A_87 = arith.muli %scan3A_85, %mul3A_86 : i32
      %add3A_88 = arith.constant 2 : i32
      %add3A_89 = arith.addi %add3A_88, %mul3A_87 : i32
      %add3A_90 = arith.constant 0 : i32
      %add3A_91 = arith.addi %add3A_89, %add3A_90 : i32
      %dma_wait3A_92 = arith.constant 0 : i32
      %dma_wait3A_93 = tpu.memref_slice %arg5[%dma_wait3A_92] : memref<25600xi32, #tpu.memory_space<vmem>> -> memref<200xi32, #tpu.memory_space<vmem>>
      %dma_wait3A_94 = arith.constant 0 : i32
      %dma_wait3A_95 = arith.constant 0 : i32
      %dma_wait3A_96 = tpu.memref_slice %arg2[%dma_wait3A_94, %dma_wait3A_95] : memref<100000x128xf32, #tpu.memory_space<hbm>> -> memref<100000x128xf32, #tpu.memory_space<hbm>>
      tpu.wait_indirect_dma semaphore(%arg12 : memref<!tpu.dma_semaphore, #tpu.memory_space<semaphore_mem>>) src(%dma_wait3A_96 : memref<100000x128xf32, #tpu.memory_space<hbm>>) dst(%arg8 : memref<200x128xf32, #tpu.memory_space<vmem>>)
      %dma_wait3A_97 = arith.constant 0 : i32
      %dma_wait3A_98 = tpu.memref_slice %arg4[%mul3A_2, %dma_wait3A_97] : memref<819200x128xf32, #tpu.memory_space<hbm>> -> memref<200x128xf32, #tpu.memory_space<hbm>>
      %dma_wait3A_99 = arith.constant 0 : i32
      %dma_wait3A_100 = tpu.memref_slice %arg4[%mul3A_2, %dma_wait3A_99] : memref<819200x128xf32, #tpu.memory_space<hbm>> -> memref<200x128xf32, #tpu.memory_space<hbm>>
      tpu.wait_dma2 semaphore(%arg14 : memref<!tpu.dma_semaphore, #tpu.memory_space<semaphore_mem>>) src(%arg6 : memref<200x128xf32, #tpu.memory_space<vmem>>) dst(%dma_wait3A_100 : memref<200x128xf32, #tpu.memory_space<hbm>>)
      %mul3A_101 = arith.constant 200 : i32
      %mul3A_102 = arith.muli %add3A_91, %mul3A_101 : i32
      %add3A_103 = arith.addi %mul3A_2, %mul3A_102 : i32
      %dma_start3A_104 = arith.constant 0 : i32
      %dma_start3A_105 = tpu.memref_slice %arg4[%add3A_103, %dma_start3A_104] : memref<819200x128xf32, #tpu.memory_space<hbm>> -> memref<200x128xf32, #tpu.memory_space<hbm>>
      %dma_start3A_106 = arith.constant 0 : i32
      %dma_start3A_107 = tpu.memref_slice %arg4[%add3A_103, %dma_start3A_106] : memref<819200x128xf32, #tpu.memory_space<hbm>> -> memref<200x128xf32, #tpu.memory_space<hbm>>
      tpu.enqueue_dma source(%arg8 : memref<200x128xf32, #tpu.memory_space<vmem>>) target(%dma_start3A_107 : memref<200x128xf32, #tpu.memory_space<hbm>>) target_semaphore(%arg16 : memref<!tpu.dma_semaphore, #tpu.memory_space<semaphore_mem>>)
      %add3A_108 = arith.constant 2 : i32
      %add3A_109 = arith.addi %add3A_91, %add3A_108 : i32
      %mul3A_110 = arith.constant 200 : i32
      %mul3A_111 = arith.muli %add3A_109, %mul3A_110 : i32
      %dma_start3A_112 = tpu.memref_slice %arg5[%mul3A_111] : memref<25600xi32, #tpu.memory_space<vmem>> -> memref<200xi32, #tpu.memory_space<vmem>>
      %dma_start3A_113 = arith.constant 0 : i32
      %dma_start3A_114 = arith.constant 0 : i32
      %dma_start3A_115 = tpu.memref_slice %arg2[%dma_start3A_113, %dma_start3A_114] : memref<100000x128xf32, #tpu.memory_space<hbm>> -> memref<100000x128xf32, #tpu.memory_space<hbm>>
      tpu.enqueue_indirect_dma source(%dma_start3A_115 : memref<100000x128xf32, #tpu.memory_space<hbm>>) target(%arg6 : memref<200x128xf32, #tpu.memory_space<vmem>>) offsets(%dma_start3A_112 : memref<200xi32, #tpu.memory_space<vmem>>) semaphore(%arg10 : memref<!tpu.dma_semaphore, #tpu.memory_space<semaphore_mem>>)
      %add3A_116 = arith.constant 1 : i32
      %add3A_117 = arith.addi %add3A_89, %add3A_116 : i32
      %dma_wait3A_118 = arith.constant 0 : i32
      %dma_wait3A_119 = tpu.memref_slice %arg5[%dma_wait3A_118] : memref<25600xi32, #tpu.memory_space<vmem>> -> memref<200xi32, #tpu.memory_space<vmem>>
      %dma_wait3A_120 = arith.constant 0 : i32
      %dma_wait3A_121 = arith.constant 0 : i32
      %dma_wait3A_122 = tpu.memref_slice %arg2[%dma_wait3A_120, %dma_wait3A_121] : memref<100000x128xf32, #tpu.memory_space<hbm>> -> memref<100000x128xf32, #tpu.memory_space<hbm>>
      tpu.wait_indirect_dma semaphore(%arg13 : memref<!tpu.dma_semaphore, #tpu.memory_space<semaphore_mem>>) src(%dma_wait3A_122 : memref<100000x128xf32, #tpu.memory_space<hbm>>) dst(%arg9 : memref<200x128xf32, #tpu.memory_space<vmem>>)
      %dma_wait3A_123 = arith.constant 0 : i32
      %dma_wait3A_124 = tpu.memref_slice %arg4[%mul3A_2, %dma_wait3A_123] : memref<819200x128xf32, #tpu.memory_space<hbm>> -> memref<200x128xf32, #tpu.memory_space<hbm>>
      %dma_wait3A_125 = arith.constant 0 : i32
      %dma_wait3A_126 = tpu.memref_slice %arg4[%mul3A_2, %dma_wait3A_125] : memref<819200x128xf32, #tpu.memory_space<hbm>> -> memref<200x128xf32, #tpu.memory_space<hbm>>
      tpu.wait_dma2 semaphore(%arg15 : memref<!tpu.dma_semaphore, #tpu.memory_space<semaphore_mem>>) src(%arg7 : memref<200x128xf32, #tpu.memory_space<vmem>>) dst(%dma_wait3A_126 : memref<200x128xf32, #tpu.memory_space<hbm>>)
      %mul3A_127 = arith.constant 200 : i32
      %mul3A_128 = arith.muli %add3A_117, %mul3A_127 : i32
      %add3A_129 = arith.addi %mul3A_2, %mul3A_128 : i32
      %dma_start3A_130 = arith.constant 0 : i32
      %dma_start3A_131 = tpu.memref_slice %arg4[%add3A_129, %dma_start3A_130] : memref<819200x128xf32, #tpu.memory_space<hbm>> -> memref<200x128xf32, #tpu.memory_space<hbm>>
      %dma_start3A_132 = arith.constant 0 : i32
      %dma_start3A_133 = tpu.memref_slice %arg4[%add3A_129, %dma_start3A_132] : memref<819200x128xf32, #tpu.memory_space<hbm>> -> memref<200x128xf32, #tpu.memory_space<hbm>>
      tpu.enqueue_dma source(%arg9 : memref<200x128xf32, #tpu.memory_space<vmem>>) target(%dma_start3A_133 : memref<200x128xf32, #tpu.memory_space<hbm>>) target_semaphore(%arg17 : memref<!tpu.dma_semaphore, #tpu.memory_space<semaphore_mem>>)
      %add3A_134 = arith.constant 2 : i32
      %add3A_135 = arith.addi %add3A_117, %add3A_134 : i32
      %mul3A_136 = arith.constant 200 : i32
      %mul3A_137 = arith.muli %add3A_135, %mul3A_136 : i32
      %dma_start3A_138 = tpu.memref_slice %arg5[%mul3A_137] : memref<25600xi32, #tpu.memory_space<vmem>> -> memref<200xi32, #tpu.memory_space<vmem>>
      %dma_start3A_139 = arith.constant 0 : i32
      %dma_start3A_140 = arith.constant 0 : i32
      %dma_start3A_141 = tpu.memref_slice %arg2[%dma_start3A_139, %dma_start3A_140] : memref<100000x128xf32, #tpu.memory_space<hbm>> -> memref<100000x128xf32, #tpu.memory_space<hbm>>
      tpu.enqueue_indirect_dma source(%dma_start3A_141 : memref<100000x128xf32, #tpu.memory_space<hbm>>) target(%arg7 : memref<200x128xf32, #tpu.memory_space<vmem>>) offsets(%dma_start3A_138 : memref<200xi32, #tpu.memory_space<vmem>>) semaphore(%arg11 : memref<!tpu.dma_semaphore, #tpu.memory_space<semaphore_mem>>)
      %add3A_142 = arith.constant 2 : i32
      %add3A_143 = arith.addi %add3A_89, %add3A_142 : i32
      %dma_wait3A_144 = arith.constant 0 : i32
      %dma_wait3A_145 = tpu.memref_slice %arg5[%dma_wait3A_144] : memref<25600xi32, #tpu.memory_space<vmem>> -> memref<200xi32, #tpu.memory_space<vmem>>
      %dma_wait3A_146 = arith.constant 0 : i32
      %dma_wait3A_147 = arith.constant 0 : i32
      %dma_wait3A_148 = tpu.memref_slice %arg2[%dma_wait3A_146, %dma_wait3A_147] : memref<100000x128xf32, #tpu.memory_space<hbm>> -> memref<100000x128xf32, #tpu.memory_space<hbm>>
      tpu.wait_indirect_dma semaphore(%arg10 : memref<!tpu.dma_semaphore, #tpu.memory_space<semaphore_mem>>) src(%dma_wait3A_148 : memref<100000x128xf32, #tpu.memory_space<hbm>>) dst(%arg6 : memref<200x128xf32, #tpu.memory_space<vmem>>)
      %dma_wait3A_149 = arith.constant 0 : i32
      %dma_wait3A_150 = tpu.memref_slice %arg4[%mul3A_2, %dma_wait3A_149] : memref<819200x128xf32, #tpu.memory_space<hbm>> -> memref<200x128xf32, #tpu.memory_space<hbm>>
      %dma_wait3A_151 = arith.constant 0 : i32
      %dma_wait3A_152 = tpu.memref_slice %arg4[%mul3A_2, %dma_wait3A_151] : memref<819200x128xf32, #tpu.memory_space<hbm>> -> memref<200x128xf32, #tpu.memory_space<hbm>>
      tpu.wait_dma2 semaphore(%arg16 : memref<!tpu.dma_semaphore, #tpu.memory_space<semaphore_mem>>) src(%arg8 : memref<200x128xf32, #tpu.memory_space<vmem>>) dst(%dma_wait3A_152 : memref<200x128xf32, #tpu.memory_space<hbm>>)
      %mul3A_153 = arith.constant 200 : i32
      %mul3A_154 = arith.muli %add3A_143, %mul3A_153 : i32
      %add3A_155 = arith.addi %mul3A_2, %mul3A_154 : i32
      %dma_start3A_156 = arith.constant 0 : i32
      %dma_start3A_157 = tpu.memref_slice %arg4[%add3A_155, %dma_start3A_156] : memref<819200x128xf32, #tpu.memory_space<hbm>> -> memref<200x128xf32, #tpu.memory_space<hbm>>
      %dma_start3A_158 = arith.constant 0 : i32
      %dma_start3A_159 = tpu.memref_slice %arg4[%add3A_155, %dma_start3A_158] : memref<819200x128xf32, #tpu.memory_space<hbm>> -> memref<200x128xf32, #tpu.memory_space<hbm>>
      tpu.enqueue_dma source(%arg6 : memref<200x128xf32, #tpu.memory_space<vmem>>) target(%dma_start3A_159 : memref<200x128xf32, #tpu.memory_space<hbm>>) target_semaphore(%arg14 : memref<!tpu.dma_semaphore, #tpu.memory_space<semaphore_mem>>)
      %add3A_160 = arith.constant 2 : i32
      %add3A_161 = arith.addi %add3A_143, %add3A_160 : i32
      %mul3A_162 = arith.constant 200 : i32
      %mul3A_163 = arith.muli %add3A_161, %mul3A_162 : i32
      %dma_start3A_164 = tpu.memref_slice %arg5[%mul3A_163] : memref<25600xi32, #tpu.memory_space<vmem>> -> memref<200xi32, #tpu.memory_space<vmem>>
      %dma_start3A_165 = arith.constant 0 : i32
      %dma_start3A_166 = arith.constant 0 : i32
      %dma_start3A_167 = tpu.memref_slice %arg2[%dma_start3A_165, %dma_start3A_166] : memref<100000x128xf32, #tpu.memory_space<hbm>> -> memref<100000x128xf32, #tpu.memory_space<hbm>>
      tpu.enqueue_indirect_dma source(%dma_start3A_167 : memref<100000x128xf32, #tpu.memory_space<hbm>>) target(%arg8 : memref<200x128xf32, #tpu.memory_space<vmem>>) offsets(%dma_start3A_164 : memref<200xi32, #tpu.memory_space<vmem>>) semaphore(%arg12 : memref<!tpu.dma_semaphore, #tpu.memory_space<semaphore_mem>>)
      %add3A_168 = arith.constant 3 : i32
      %add3A_169 = arith.addi %add3A_89, %add3A_168 : i32
      %dma_wait3A_170 = arith.constant 0 : i32
      %dma_wait3A_171 = tpu.memref_slice %arg5[%dma_wait3A_170] : memref<25600xi32, #tpu.memory_space<vmem>> -> memref<200xi32, #tpu.memory_space<vmem>>
      %dma_wait3A_172 = arith.constant 0 : i32
      %dma_wait3A_173 = arith.constant 0 : i32
      %dma_wait3A_174 = tpu.memref_slice %arg2[%dma_wait3A_172, %dma_wait3A_173] : memref<100000x128xf32, #tpu.memory_space<hbm>> -> memref<100000x128xf32, #tpu.memory_space<hbm>>
      tpu.wait_indirect_dma semaphore(%arg11 : memref<!tpu.dma_semaphore, #tpu.memory_space<semaphore_mem>>) src(%dma_wait3A_174 : memref<100000x128xf32, #tpu.memory_space<hbm>>) dst(%arg7 : memref<200x128xf32, #tpu.memory_space<vmem>>)
      %dma_wait3A_175 = arith.constant 0 : i32
      %dma_wait3A_176 = tpu.memref_slice %arg4[%mul3A_2, %dma_wait3A_175] : memref<819200x128xf32, #tpu.memory_space<hbm>> -> memref<200x128xf32, #tpu.memory_space<hbm>>
      %dma_wait3A_177 = arith.constant 0 : i32
      %dma_wait3A_178 = tpu.memref_slice %arg4[%mul3A_2, %dma_wait3A_177] : memref<819200x128xf32, #tpu.memory_space<hbm>> -> memref<200x128xf32, #tpu.memory_space<hbm>>
      tpu.wait_dma2 semaphore(%arg17 : memref<!tpu.dma_semaphore, #tpu.memory_space<semaphore_mem>>) src(%arg9 : memref<200x128xf32, #tpu.memory_space<vmem>>) dst(%dma_wait3A_178 : memref<200x128xf32, #tpu.memory_space<hbm>>)
      %mul3A_179 = arith.constant 200 : i32
      %mul3A_180 = arith.muli %add3A_169, %mul3A_179 : i32
      %add3A_181 = arith.addi %mul3A_2, %mul3A_180 : i32
      %dma_start3A_182 = arith.constant 0 : i32
      %dma_start3A_183 = tpu.memref_slice %arg4[%add3A_181, %dma_start3A_182] : memref<819200x128xf32, #tpu.memory_space<hbm>> -> memref<200x128xf32, #tpu.memory_space<hbm>>
      %dma_start3A_184 = arith.constant 0 : i32
      %dma_start3A_185 = tpu.memref_slice %arg4[%add3A_181, %dma_start3A_184] : memref<819200x128xf32, #tpu.memory_space<hbm>> -> memref<200x128xf32, #tpu.memory_space<hbm>>
      tpu.enqueue_dma source(%arg7 : memref<200x128xf32, #tpu.memory_space<vmem>>) target(%dma_start3A_185 : memref<200x128xf32, #tpu.memory_space<hbm>>) target_semaphore(%arg15 : memref<!tpu.dma_semaphore, #tpu.memory_space<semaphore_mem>>)
      %add3A_186 = arith.constant 2 : i32
      %add3A_187 = arith.addi %add3A_169, %add3A_186 : i32
      %mul3A_188 = arith.constant 200 : i32
      %mul3A_189 = arith.muli %add3A_187, %mul3A_188 : i32
      %dma_start3A_190 = tpu.memref_slice %arg5[%mul3A_189] : memref<25600xi32, #tpu.memory_space<vmem>> -> memref<200xi32, #tpu.memory_space<vmem>>
      %dma_start3A_191 = arith.constant 0 : i32
      %dma_start3A_192 = arith.constant 0 : i32
      %dma_start3A_193 = tpu.memref_slice %arg2[%dma_start3A_191, %dma_start3A_192] : memref<100000x128xf32, #tpu.memory_space<hbm>> -> memref<100000x128xf32, #tpu.memory_space<hbm>>
      tpu.enqueue_indirect_dma source(%dma_start3A_193 : memref<100000x128xf32, #tpu.memory_space<hbm>>) target(%arg9 : memref<200x128xf32, #tpu.memory_space<vmem>>) offsets(%dma_start3A_190 : memref<200xi32, #tpu.memory_space<vmem>>) semaphore(%arg13 : memref<!tpu.dma_semaphore, #tpu.memory_space<semaphore_mem>>)
    }
    %scan3A_46 = arith.constant 31 : i32
    %dma_wait3A_47 = arith.constant 0 : i32
    %dma_wait3A_48 = tpu.memref_slice %arg5[%dma_wait3A_47] : memref<25600xi32, #tpu.memory_space<vmem>> -> memref<200xi32, #tpu.memory_space<vmem>>
    %dma_wait3A_49 = arith.constant 0 : i32
    %dma_wait3A_50 = arith.constant 0 : i32
    %dma_wait3A_51 = tpu.memref_slice %arg2[%dma_wait3A_49, %dma_wait3A_50] : memref<100000x128xf32, #tpu.memory_space<hbm>> -> memref<100000x128xf32, #tpu.memory_space<hbm>>
    tpu.wait_indirect_dma semaphore(%arg12 : memref<!tpu.dma_semaphore, #tpu.memory_space<semaphore_mem>>) src(%dma_wait3A_51 : memref<100000x128xf32, #tpu.memory_space<hbm>>) dst(%arg8 : memref<200x128xf32, #tpu.memory_space<vmem>>)
    %dma_wait3A_52 = arith.constant 0 : i32
    %dma_wait3A_53 = tpu.memref_slice %arg4[%mul3A_2, %dma_wait3A_52] : memref<819200x128xf32, #tpu.memory_space<hbm>> -> memref<200x128xf32, #tpu.memory_space<hbm>>
    %dma_wait3A_54 = arith.constant 0 : i32
    %dma_wait3A_55 = tpu.memref_slice %arg4[%mul3A_2, %dma_wait3A_54] : memref<819200x128xf32, #tpu.memory_space<hbm>> -> memref<200x128xf32, #tpu.memory_space<hbm>>
    tpu.wait_dma2 semaphore(%arg14 : memref<!tpu.dma_semaphore, #tpu.memory_space<semaphore_mem>>) src(%arg6 : memref<200x128xf32, #tpu.memory_space<vmem>>) dst(%dma_wait3A_55 : memref<200x128xf32, #tpu.memory_space<hbm>>)
    %add3A_56 = arith.constant 25200 : i32
    %add3A_57 = arith.addi %mul3A_2, %add3A_56 : i32
    %dma_start3A_58 = arith.constant 0 : i32
    %dma_start3A_59 = tpu.memref_slice %arg4[%add3A_57, %dma_start3A_58] : memref<819200x128xf32, #tpu.memory_space<hbm>> -> memref<200x128xf32, #tpu.memory_space<hbm>>
    %dma_start3A_60 = arith.constant 0 : i32
    %dma_start3A_61 = tpu.memref_slice %arg4[%add3A_57, %dma_start3A_60] : memref<819200x128xf32, #tpu.memory_space<hbm>> -> memref<200x128xf32, #tpu.memory_space<hbm>>
    tpu.enqueue_dma source(%arg8 : memref<200x128xf32, #tpu.memory_space<vmem>>) target(%dma_start3A_61 : memref<200x128xf32, #tpu.memory_space<hbm>>) target_semaphore(%arg16 : memref<!tpu.dma_semaphore, #tpu.memory_space<semaphore_mem>>)
    %dma_wait3A_62 = arith.constant 0 : i32
    %dma_wait3A_63 = tpu.memref_slice %arg5[%dma_wait3A_62] : memref<25600xi32, #tpu.memory_space<vmem>> -> memref<200xi32, #tpu.memory_space<vmem>>
    %dma_wait3A_64 = arith.constant 0 : i32
    %dma_wait3A_65 = arith.constant 0 : i32
    %dma_wait3A_66 = tpu.memref_slice %arg2[%dma_wait3A_64, %dma_wait3A_65] : memref<100000x128xf32, #tpu.memory_space<hbm>> -> memref<100000x128xf32, #tpu.memory_space<hbm>>
    tpu.wait_indirect_dma semaphore(%arg13 : memref<!tpu.dma_semaphore, #tpu.memory_space<semaphore_mem>>) src(%dma_wait3A_66 : memref<100000x128xf32, #tpu.memory_space<hbm>>) dst(%arg9 : memref<200x128xf32, #tpu.memory_space<vmem>>)
    %dma_wait3A_67 = arith.constant 0 : i32
    %dma_wait3A_68 = tpu.memref_slice %arg4[%mul3A_2, %dma_wait3A_67] : memref<819200x128xf32, #tpu.memory_space<hbm>> -> memref<200x128xf32, #tpu.memory_space<hbm>>
    %dma_wait3A_69 = arith.constant 0 : i32
    %dma_wait3A_70 = tpu.memref_slice %arg4[%mul3A_2, %dma_wait3A_69] : memref<819200x128xf32, #tpu.memory_space<hbm>> -> memref<200x128xf32, #tpu.memory_space<hbm>>
    tpu.wait_dma2 semaphore(%arg15 : memref<!tpu.dma_semaphore, #tpu.memory_space<semaphore_mem>>) src(%arg7 : memref<200x128xf32, #tpu.memory_space<vmem>>) dst(%dma_wait3A_70 : memref<200x128xf32, #tpu.memory_space<hbm>>)
    %add3A_71 = arith.constant 25400 : i32
    %add3A_72 = arith.addi %mul3A_2, %add3A_71 : i32
    %dma_start3A_73 = arith.constant 0 : i32
    %dma_start3A_74 = tpu.memref_slice %arg4[%add3A_72, %dma_start3A_73] : memref<819200x128xf32, #tpu.memory_space<hbm>> -> memref<200x128xf32, #tpu.memory_space<hbm>>
    %dma_start3A_75 = arith.constant 0 : i32
    %dma_start3A_76 = tpu.memref_slice %arg4[%add3A_72, %dma_start3A_75] : memref<819200x128xf32, #tpu.memory_space<hbm>> -> memref<200x128xf32, #tpu.memory_space<hbm>>
    tpu.enqueue_dma source(%arg9 : memref<200x128xf32, #tpu.memory_space<vmem>>) target(%dma_start3A_76 : memref<200x128xf32, #tpu.memory_space<hbm>>) target_semaphore(%arg17 : memref<!tpu.dma_semaphore, #tpu.memory_space<semaphore_mem>>)
    %dma_wait3A_77 = arith.constant 0 : i32
    %dma_wait3A_78 = tpu.memref_slice %arg4[%mul3A_2, %dma_wait3A_77] : memref<819200x128xf32, #tpu.memory_space<hbm>> -> memref<200x128xf32, #tpu.memory_space<hbm>>
    %dma_wait3A_79 = arith.constant 0 : i32
    %dma_wait3A_80 = tpu.memref_slice %arg4[%mul3A_2, %dma_wait3A_79] : memref<819200x128xf32, #tpu.memory_space<hbm>> -> memref<200x128xf32, #tpu.memory_space<hbm>>
    tpu.wait_dma2 semaphore(%arg16 : memref<!tpu.dma_semaphore, #tpu.memory_space<semaphore_mem>>) src(%arg8 : memref<200x128xf32, #tpu.memory_space<vmem>>) dst(%dma_wait3A_80 : memref<200x128xf32, #tpu.memory_space<hbm>>)
    %dma_wait3A_81 = arith.constant 0 : i32
    %dma_wait3A_82 = tpu.memref_slice %arg4[%mul3A_2, %dma_wait3A_81] : memref<819200x128xf32, #tpu.memory_space<hbm>> -> memref<200x128xf32, #tpu.memory_space<hbm>>
    %dma_wait3A_83 = arith.constant 0 : i32
    %dma_wait3A_84 = tpu.memref_slice %arg4[%mul3A_2, %dma_wait3A_83] : memref<819200x128xf32, #tpu.memory_space<hbm>> -> memref<200x128xf32, #tpu.memory_space<hbm>>
    tpu.wait_dma2 semaphore(%arg17 : memref<!tpu.dma_semaphore, #tpu.memory_space<semaphore_mem>>) src(%arg9 : memref<200x128xf32, #tpu.memory_space<vmem>>) dst(%dma_wait3A_84 : memref<200x128xf32, #tpu.memory_space<hbm>>)
    return
  }
}

</mosaic_0001>

<sc_bundles>
// kernel: kernel.3.cloned.1.call-start
scs
__scs_entry_jumppad:
0x0: {  	(pc) =	sbr.rel $0x88, $3  }
0x1: {  	(tag) =	ssettag $0x0;
	lr =	simm.s32 $0x1  }
0x2: {  	[smem:$0x3F9F] =	sst lr;
	_ =	strace $0xD0000000  }
0x3: {  	_ = 	snop  }
0x4: {  	_ = 	snop  }
0x5: {  	_ = 	snop  }
0x6: {  	_ = 	snop  }
0x7: {  	_ = 	snop  }
__scs_overlays_trampoline_lowered:
0x8: {  	[smem:$0x3FAE] =	sst s0  }
0x9: {  	[smem:$0x3FAF] =	sst s1  }
0xa: {  	[smem:$0x3FB0] =	sst s2  }
0xb: {  	[smem:$0x3FB1] =	sst s3  }
0xc: {  	[smem:$0x3FB2] =	sst s4  }
0xd: {  	[smem:$0x3FB3] =	sst s5  }
0xe: {  	[smem:$0x3FB4] =	sst s6  }
0xf: {  	[smem:$0x3FB5] =	sst s7  }
0x10: {  	[smem:$0x3FB6] =	sst s8  }
0x11: {  	[smem:$0x3FB7] =	sst s9;
	s0 =	simm.s32 @!p0 $0x0  }
0x12: {  	s1 =	sld [smem:$0x3F9D];
	s0 =	simm.s32 @p0 $0x1  }
0x13: {  	[smem:$0x3FB8] =	sst s0;
	s0 =	simm.s32 @!p1 $0x0  }
0x14: {  	s2 =	sld [smem:$0x3F9C];
	s0 =	simm.s32 @p1 $0x1  }
0x15: {  	[smem:$0x3FB9] =	sst s0;
	s0 =	simm.s32 @!p2 $0x0  }
0x16: {  	s3 =	sld [smem:$0x3FDB];
	s0 =	simm.s32 @p2 $0x1  }
0x17: {  	s4 =	simm.s32 $0x1BF5;
	[smem:$0x3FBB] =	sst s0  }
0x18: {  	s0 =	sld [smem:$0x3F9E];
	_ =	swait.ge [sflag:s4], $0x0  }
0x19: {  	s7 =	sld [smem:$0x3F9F]  }
0x1a: {  	s8 =	sadd.s32 $0xFFFFE003, lr  }
0x1b: {  	s9 =	sadd.s32 $0xFFFFFEF7, lr;
	s5 =	simm.s32 $0xFFFFFFFF;
	p2 =	slt.u32 s8, $0xFFFFF086  }
0x1c: {  	p1 =	slt.u32 s9, $0xF7A;
	s5 =	simm.s32 @!p2 $0x0  }
0x1d: {  	s5 =	simm.s32 @p1 $0x1;
	p0 =	seq.s32 s7, s2  }
0x1e: {  	s7 =	smul.u32 @!p0 $0xF7A, s2;
	p2 =	seq.s32 @!p0 s5, $0x0  }
0x1f: {  	s9 =	smul.u32 $0xF7A, s1;
	s8 =	simm.s32 @!p0 $0x1BF5;
	p2 =	por !p2, p0  }
0x20: {  	[sflag:s8] =	ssyncset.s32 @!p0 $0xFFFFF086;
	s6 =	sadd.s32 @!p0 s3, s7;
	s7 =	simm.s32 @!p0 $0x108  }
0x21: {  	s3 =	sadd.s32 s3, s9;
	s6 =	sadd.s32 @!p0 $0x88, s6;
	s7 =	simm.s32 @p2 $0x1082  }
0x22: {  	[simem:s7], [sflag:s8] =	dma.local @!p0 [hbm:s6], $0xF7A  }
0x23: {  	s9 =	sor.u32 $0xD0000000, s2;
	s6 =	simm.s32 $0x108;
	_ =	swait.ge @!p0 [sflag:s8], $0x0  }
0x24: {  	s3 =	sadd.s32 $0x88, s3;
	s6 =	simm.s32 @!p1 $0x1082;
	[sflag:s4] =	ssyncset.s32 $0xFFFFF086  }
0x25: {  	[simem:s6], [sflag:s4] =	dma.local [hbm:s3], $0xF7A  }
0x26: {  	[smem:$0x3F9F] =	sst s1;
	(tag) =	ssettag s2;
	_ =	strace s9  }
0x27: {  	s1 =	sld [smem:$0x3FAF]  }
0x28: {  	s2 =	sld [smem:$0x3FB0]  }
0x29: {  	s4 =	sld [smem:$0x3FB2]  }
0x2a: {  	p0 =	seq.s32 s5, $0x0;
	s5 =	sld [smem:$0x3FB3]  }
0x2b: {  	s6 =	sld [smem:$0x3FB4]  }
0x2c: {  	s7 =	sld [smem:$0x3FB5]  }
0x2d: {  	s3 =	simm.s32 $0x108;
	s8 =	sld [smem:$0x3FB6]  }
0x2e: {  	s3 =	simm.s32 @!p0 $0x1082;
	s9 =	sld [smem:$0x3FB7]  }
0x2f: {  	lr =	sadd.s32 s0, s3;
	s0 =	sld [smem:$0x3FAE]  }
0x30: {  	s3 =	sld [smem:$0x3FB1]  }
0x31: {  	[smem:$0x3FBA] =	sst s10  }
0x32: {  	s10 =	sld [smem:$0x3FB8];
	_ =	sdelay $0x3  }
0x33: {  	p0 =	seq.s32 s10, $0x1;
	s10 =	sld [smem:$0x3FBA];
	_ =	sdelay $0x3  }
0x34: {  	[smem:$0x3FBA] =	sst s10  }
0x35: {  	s10 =	sld [smem:$0x3FB9];
	_ =	sdelay $0x3  }
0x36: {  	p1 =	seq.s32 s10, $0x1;
	s10 =	sld [smem:$0x3FBA];
	_ =	sdelay $0x3  }
0x37: {  	[smem:$0x3FBA] =	sst s10  }
0x38: {  	s10 =	sld [smem:$0x3FBB]  }
0x39: {  	_ = 	snop;
	(pc) =	sbr.ind lr, $3  }
0x3a: {  	_ = 	snop  }
0x3b: {  	_ = 	snop  }
0x3c: {  	p2 =	seq.s32 s10, $0x1;
	s10 =	sld [smem:$0x3FBA]  }
0x3d: {  	_ =	shalt  }
0x3e: {  	_ =	shalt  }
0x3f: {  	_ =	shalt  }
0x40: {  	_ =	shalt  }
0x41: {  	_ =	shalt  }
0x42: {  	_ =	shalt  }
0x43: {  	_ =	shalt  }
0x44: {  	_ =	shalt  }
0x45: {  	_ =	shalt  }
0x46: {  	_ =	shalt  }
0x47: {  	_ =	shalt  }
0x48: {  	_ =	shalt  }
0x49: {  	_ =	shalt  }
0x4a: {  	_ =	shalt  }
0x4b: {  	_ =	shalt  }
0x4c: {  	_ =	shalt  }
0x4d: {  	_ =	shalt  }
0x4e: {  	_ =	shalt  }
0x4f: {  	_ =	shalt  }
0x50: {  	_ =	shalt  }
0x51: {  	_ =	shalt  }
0x52: {  	_ =	shalt  }
0x53: {  	_ =	shalt  }
0x54: {  	_ =	shalt  }
0x55: {  	_ =	shalt  }
0x56: {  	_ =	shalt  }
0x57: {  	_ =	shalt  }
0x58: {  	_ =	shalt  }
0x59: {  	_ =	shalt  }
0x5a: {  	_ =	shalt  }
0x5b: {  	_ =	shalt  }
0x5c: {  	_ =	shalt  }
0x5d: {  	_ =	shalt  }
0x5e: {  	_ =	shalt  }
0x5f: {  	_ =	shalt  }
0x60: {  	_ =	shalt  }
0x61: {  	_ =	shalt  }
0x62: {  	_ =	shalt  }
0x63: {  	_ =	shalt  }
0x64: {  	_ =	shalt  }
0x65: {  	_ =	shalt  }
0x66: {  	_ =	shalt  }
0x67: {  	_ =	shalt  }
0x68: {  	_ =	shalt  }
0x69: {  	_ =	shalt  }
0x6a: {  	_ =	shalt  }
0x6b: {  	_ =	shalt  }
0x6c: {  	_ =	shalt  }
0x6d: {  	_ =	shalt  }
0x6e: {  	_ =	shalt  }
0x6f: {  	_ =	shalt  }
0x70: {  	_ =	shalt  }
0x71: {  	_ =	shalt  }
0x72: {  	_ =	shalt  }
0x73: {  	_ =	shalt  }
0x74: {  	_ =	shalt  }
0x75: {  	_ =	shalt  }
0x76: {  	_ =	shalt  }
0x77: {  	_ =	shalt  }
0x78: {  	_ =	shalt  }
0x79: {  	_ =	shalt  }
0x7a: {  	_ =	shalt  }
0x7b: {  	_ =	shalt  }
0x7c: {  	_ =	shalt  }
0x7d: {  	_ =	shalt  }
0x7e: {  	_ =	shalt  }
0x7f: {  	_ =	shalt  }
0x80: {  	_ =	shalt  }
0x81: {  	_ =	shalt  }
0x82: {  	_ =	shalt  }
0x83: {  	_ =	shalt  }
0x84: {  	_ =	shalt  }
0x85: {  	_ =	shalt  }
0x86: {  	_ =	shalt  }
0x87: {  	_ =	shalt  }
.Lfunc_end0:
.L_simem_size_0:
called_computation_lowered:
.L_overlay_start_0:
0x88: {  	s2 =	sld [smem:$0x3FD9]  }
0x89: {  	s3 =	sld [smem:$0x3FFE];
	_ =	sdelay $0x1  }
0x8a: {  	s1 =	srdreg.scid  }
0x8b: {  	s0 =	sand.u32 $0x1, s1  }
0x8c: {  	s17 =	sshll.u32 s0, $0xA;
	s2 =	sadd.s32 s3, s2  }
0x8d: {  	s2 =	sadd.s32 s2, s17  }
0x8e: {  	[smem:$0x3FC6] =	sst s2  }
0x8f: {  	_ = 	snop  }
0x90: {  	s2 =	sld [smem:$0x3FC8]  }
0x91: {  	s18 =	sld [smem:$0x3FD0];
	(tm) =	ssettm $0x1  }
0x92: {  	s4 =	sld [smem:$0x3FFB];
	_ =	sdelay $0x3  }
0x93: {  	_ =	strace s4  }
0x94: {  	s4 =	sld [smem:$0x3FFC];
	_ =	sdelay $0x3  }
0x95: {  	_ =	strace s4  }
0x96: {  	s4 =	sld [smem:$0x3FFD];
	_ =	sdelay $0x3  }
0x97: {  	_ =	strace s4  }
0x98: {  	_ =	strace $0x8FFFFFFF  }
0x99: {  	s19 =	sld [smem:$0x3FDB];
	_ =	sdelay $0x1  }
0x9a: {  	s5 =	simm.s32 $_scs_section_size  }
0x9b: {  	s6 =	simm.s32 $_size__tile_overlayer_lowered;
	s7 =	simm.s32 $_tile_overlayer_lowered  }
0x9c: {  	s22 =	simm.s32 $0x1BFF;
	s21 =	sshll.u32 s7, $0x1;
	s4 =	sadd.s32 s5, s19  }
0x9d: {  	s8 =	simm.s32 $0x0;
	s20 =	sshll.u32 s6, $0x1;
	s6 =	sadd.s32 s21, s4  }
0x9e: {  	[timem:s8], [sflag:s22] =	dma.local [hbm:s6], s20  }
0x9f: {  	_ =	swait.ge [sflag:s22], s20  }
0xa0: {  	s5 =	ssub.s32 $0x0, s20;
	[sflag:s22] =	ssyncset.done $0x0  }
0xa1: {  	[sflag:s22] =	ssyncadd.s32 s5;
	_ =	sdelay $0x1  }
0xa2: {  	s23 =	simm.s32 $0x1B8B  }
0xa3: {  	_ =	swait.ge [sflag:s23], $0x1  }
0xa4: {  	[sflag:s23] =	ssyncset.done $0x0  }
0xa5: {  	s25 =	simm.s32 $0x1B8E;
	s24 =	sld [smem:$0x3FFE];
	[sflag:s23] =	ssyncadd.s32 $0xFFFFFFFF  }
0xa6: {  	s26 =	simm.s32 $execute0_lowered;
	[smem:$0x3FD2] =	sst s25  }
0xa7: {  	s6 =	sshll.u32 s26, $0x1;
	_ =	strace $0x80000046;
	[dreg:$0x1] =	wrdreg $0xFFFFFFFF  }
0xa8: {  	s28 =	simm.s32 $_size_execute0_lowered;
	s4 =	sadd.s32 s4, s6;
	[dreg:$0x0] =	wrdreg $0x0  }
0xa9: {  	s6 =	sshll.u32 s28, $0x1;
	[dreg:$0x2] =	wrdreg s4  }
0xaa: {  	[dreg:$0x3] =	wrdreg s6  }
0xab: {  	[dreg:$0x4] =	wrdreg $0xC0  }
0xac: {  	_ =	task [dreg:s8], $0x5FFFF  }
0xad: {  	[dreg:$0x1] =	wrdreg $0xFFFFFFFF  }
0xae: {  	[dreg:$0x0] =	wrdreg $0x60  }
0xaf: {  	[dreg:$0x2] =	wrdreg s2  }
0xb0: {  	[dreg:$0x3] =	wrdreg s24  }
0xb1: {  	[dreg:$0x4] =	wrdreg s18  }
0xb2: {  	[dreg:$0x5] =	wrdreg $0x9  }
0xb3: {  	_ =	task.clear_ibuf [dreg:s8], $0x6FFFF;
	_ =	strace $0x90000046  }
0xb4: {  	s29 =	simm.s32 $0x9;
	_ =	strace $0x80000048  }
0xb5: {  	_ =	swait.ge [sflag:s29], $0x1  }
0xb6: {  	[sflag:s29] =	ssyncadd.s32 $0xFFFFFFFF  }
0xb7: {  	_ =	strace $0x90000048  }
0xb8: {  	_ =	sfence  }
0xb9: {  	s30 =	sld [smem:$0x0];
	_ =	sdelay $0x2  }
0xba: {  	s31 =	sshll.u32 s1, $0xD;
	s1 =	sshrl.u32 s1, $0x2  }
0xbb: {  	s3 =	sand.u32 $0x4000, s31;
	s1 =	sadd.s32 s1, s30  }
0xbc: {  	s0 =	sor.u32 s3, s0;
	s1 =	sshll.u32 s1, $0x11  }
0xbd: {  	s0 =	sor.u32 s1, s0  }
0xbe: {  	s0 =	sadd.s32 $0x8F2B, s0  }
0xbf: {  	[sflag:s0] =	ssyncadd.remote.s32 $0x1  }
0xc0: {  	_ =	sfence.sel $0xFFFF  }
0xc1: {  	[dreg:$0x0] =	wrdreg $0xFFFFFFFF;
	(pc) =	sbr.abs _section_cstart, $3  }
0xc2: {  	[dreg:$0x1] =	wrdreg $0xFFFFFFFF  }
0xc3: {  	_ =	task.clear_ibuf [dreg:s8], $0x2FFFF;
	_ =	strace $0x9FFFFFFF  }
0xc4: {  	(tm) =	ssettm $0x7FFFFFFF  }
0xc5: {  	_ =	shalt  }
tec
execute0_lowered:
.L_overlay_start_1:
0x0: {  	(tag) =	ssettag $0x1  }
0x1: {  	s1 =	rddreg [dreg:$0x0]  }
0x2: {  	s4 =	rddreg [dreg:$0x1]  }
0x3: {  	s2 =	srdreg.scid;
	s0 =	stileid.u32  }
0x4: {  	s8 =	rddreg [dreg:$0x2];
	s3 =	simm.s32 $0x0;
	s13 =	simm.s32 $0x6400  }
0x5: {  	s14 =	simm.s32 $0xC800;
	s15 =	simm.s32 $0x1;
	s16 =	simm.s32 $0x190  }
0x6: {  	s17 =	simm.s32 $0x12C00;
	s18 =	simm.s32 $0x2;
	s19 =	simm.s32 $0x258  }
0x7: {  	s20 =	simm.s32 $0x19000;
	s21 =	simm.s32 $0x3;
	s22 =	simm.s32 $0x5  }
0x8: {  	s23 =	simm.s32 $0x4;
	s24 =	simm.s32 $0x6;
	s25 =	simm.s32 $0x7  }
0x9: {  	s6 =	sand.u32 $0x1, s2;
	s5 =	sshll.u32 s0, $0x1;
	s31 =	smul.u32 $0xC8000, s0  }
0xa: {  	s26 =	simm.s32 $0x8;
	s5 =	sor.u32 s6, s5;
	s12 =	smul.u32 $0x64000, s6  }
0xb: {  	s28 =	simm.s32 $0x0;
	s9 =	ssub.s32 $0x2, s6;
	s7 =	smul.u32 $0x6400, s5  }
0xc: {  	[smem:$0x7FF] =	sst s3;
	s10 =	sshrl.u32 s9, $0x1;
	s11 =	smul.u32 $0x320000, s5  }
0xd: {  	_ =	strace $0x80000047;
	s5 =	smul.u32 $0x64000, s5;
	s9 =	ssub.s32 s9, s10  }
0xe: {  	s10 =	sadd.s32 s31, s8;
	s7 =	sshrl.u32 s7, $0x3;
	s30 =	sshrl.u32 s11, $0x3  }
0xf: {  	s5 =	sadd.s32 s8, s5;
	s9 =	smax.u32 s9, $0x1;
	s10 =	sadd.s32 s12, s10  }
0x10: {  	s12 =	simm.s32 $0xC8;
	s4 =	sadd.s32 s7, s4;
	s11 =	sadd.s32 s8, s30  }
0x11: {  	s6 =	sadd.s32 $0xC80, s5;
	s10 =	sadd.s32 $0x2580, s10;
	s4 =	sadd.s32 $0x400, s4  }
0x12: {  	s7 =	sadd.s32 $0x62700, s11;
	s8 =	sadd.s32 $0x63380, s11;
	s11 =	simm.s32 $0x9  }
.LBB2_1:
0x13: {  	[tilespmem:s3], [sflag:$0x9] =	stream.linear.gather [hbm4b:s4+s3], $0x6400, $0x38;
	[tilespmem:$0x1F400] =	vst v63  }
0x14: {  	_ =	swait.ge [sflag:s11], $0x6400  }
0x15: {  	[sflag:s11] =	ssyncset.done $0x0  }
0x16: {  	[sflag:s11] =	ssyncadd.s32 $0xFFFF9C00  }
0x17: {  	[tilespmem:s13], [sflag:$0x1] =	stream.indirect.gather [hbm4b:s1+s12], $0x80, s3, s12, $0xb8;
	[tilespmem:$0x1F400] =	vst v63  }
0x18: {  	_ = 	snop  }
0x19: {  	[tilespmem:s14], [sflag:$0x2] =	stream.indirect.gather [hbm4b:s1+s12], $0x80, s12, s12, $0xb8;
	[tilespmem:$0x1F400] =	vst v63  }
0x1a: {  	_ =	swait.ge [sflag:s15], $0x6400  }
0x1b: {  	[sflag:s15] =	ssyncset.done $0x0  }
0x1c: {  	[sflag:s15] =	ssyncadd.s32 $0xFFFF9C00  }
0x1d: {  	[hbm4b:s5+s3] =	stream.linear.scatter [tilespmem:s13], [sflag:$0x5], $0x6400, $0x38;
	[tilespmem:$0x1F400] =	vst v63  }
0x1e: {  	_ = 	snop  }
0x1f: {  	[tilespmem:s17], [sflag:$0x3] =	stream.indirect.gather [hbm4b:s1+s12], $0x80, s16, s12, $0xb8;
	[tilespmem:$0x1F400] =	vst v63  }
0x20: {  	_ =	swait.ge [sflag:s18], $0x6400  }
0x21: {  	[sflag:s18] =	ssyncset.done $0x0  }
0x22: {  	[sflag:s18] =	ssyncadd.s32 $0xFFFF9C00  }
0x23: {  	[hbm4b:s6+s3] =	stream.linear.scatter [tilespmem:s14], [sflag:$0x6], $0x6400, $0x38;
	[tilespmem:$0x1F400] =	vst v63  }
0x24: {  	_ = 	snop  }
0x25: {  	[tilespmem:s20], [sflag:$0x4] =	stream.indirect.gather [hbm4b:s1+s12], $0x80, s19, s12, $0xb8;
	[tilespmem:$0x1F400] =	vst v63  }
0x26: {  	_ =	swait.ge [sflag:s21], $0x6400  }
0x27: {  	[sflag:s21] =	ssyncset.done $0x0  }
0x28: {  	[sflag:s21] =	ssyncadd.s32 $0xFFFF9C00  }
0x29: {  	_ =	swait.ge [sflag:s22], $0x6400  }
0x2a: {  	[sflag:s22] =	ssyncset.done $0x0  }
0x2b: {  	s29 =	sadd.s32 $0xFFFFF380, s10;
	[sflag:s22] =	ssyncadd.s32 $0xFFFF9C00  }
0x2c: {  	[hbm4b:s29+s3] =	stream.linear.scatter [tilespmem:s17], [sflag:$0x7], $0x6400, $0x38;
	[tilespmem:$0x1F400] =	vst v63  }
0x2d: {  	s29 =	simm.s32 $0x320  }
0x2e: {  	[tilespmem:s13], [sflag:$0x1] =	stream.indirect.gather [hbm4b:s1+s12], $0x80, s29, s12, $0xb8;
	[tilespmem:$0x1F400] =	vst v63  }
0x2f: {  	_ =	swait.ge [sflag:s23], $0x6400  }
0x30: {  	[sflag:s23] =	ssyncset.done $0x0  }
0x31: {  	[sflag:s23] =	ssyncadd.s32 $0xFFFF9C00  }
0x32: {  	_ =	swait.ge [sflag:s24], $0x6400  }
0x33: {  	[sflag:s24] =	ssyncset.done $0x0  }
0x34: {  	[sflag:s24] =	ssyncadd.s32 $0xFFFF9C00  }
0x35: {  	[hbm4b:s10+s3] =	stream.linear.scatter [tilespmem:s20], [sflag:$0x8], $0x6400, $0x38;
	[tilespmem:$0x1F400] =	vst v63  }
0x36: {  	s29 =	simm.s32 $0x3E8  }
0x37: {  	[tilespmem:s14], [sflag:$0x2] =	stream.indirect.gather [hbm4b:s1+s12], $0x80, s29, s12, $0xb8;
	[tilespmem:$0x1F400] =	vst v63  }
0x38: {  	_ =	swait.ge [sflag:s15], $0x6400  }
0x39: {  	[sflag:s15] =	ssyncset.done $0x0  }
0x3a: {  	[sflag:s15] =	ssyncadd.s32 $0xFFFF9C00  }
0x3b: {  	_ =	swait.ge [sflag:s25], $0x6400  }
0x3c: {  	[sflag:s25] =	ssyncset.done $0x0  }
0x3d: {  	s29 =	sadd.s32 $0xC80, s10;
	[sflag:s25] =	ssyncadd.s32 $0xFFFF9C00  }
0x3e: {  	[hbm4b:s29+s3] =	stream.linear.scatter [tilespmem:s13], [sflag:$0x5], $0x6400, $0x38;
	[tilespmem:$0x1F400] =	vst v63  }
0x3f: {  	s29 =	simm.s32 $0x4B0  }
0x40: {  	[tilespmem:s17], [sflag:$0x3] =	stream.indirect.gather [hbm4b:s1+s12], $0x80, s29, s12, $0xb8;
	[tilespmem:$0x1F400] =	vst v63  }
0x41: {  	_ =	swait.ge [sflag:s18], $0x6400  }
0x42: {  	[sflag:s18] =	ssyncset.done $0x0  }
0x43: {  	[sflag:s18] =	ssyncadd.s32 $0xFFFF9C00  }
0x44: {  	_ =	swait.ge [sflag:s26], $0x6400  }
0x45: {  	[sflag:s26] =	ssyncset.done $0x0  }
0x46: {  	s29 =	sadd.s32 $0x1900, s10;
	[sflag:s26] =	ssyncadd.s32 $0xFFFF9C00  }
0x47: {  	[hbm4b:s29+s3] =	stream.linear.scatter [tilespmem:s14], [sflag:$0x6], $0x6400, $0x38;
	[tilespmem:$0x1F400] =	vst v63  }
0x48: {  	s31 =	simm.s32 $0x578;
	s30 =	sadd.s32 $0x3200, s10;
	s29 =	simm.s32 $0xC80  }
.LBB2_2:
0x49: {  	[tilespmem:s20], [sflag:$0x4] =	stream.indirect.gather [hbm4b:s1+s12], $0x80, s31, s12, $0xb8;
	[tilespmem:$0x1F400] =	vst v63  }
0x4a: {  	s31 =	smov.u32 s29  }
0x4b: {  	p0 =	sne.s32 s29, $0x17700;
	s29 =	sadd.s32 $0xC80, s29;
	_ =	swait.ge [sflag:s21], $0x6400  }
0x4c: {  	[sflag:s21] =	ssyncset.done $0x0  }
0x4d: {  	[sflag:s21] =	ssyncadd.s32 $0xFFFF9C00  }
0x4e: {  	_ =	swait.ge [sflag:s22], $0x6400  }
0x4f: {  	[sflag:s22] =	ssyncset.done $0x0  }
0x50: {  	s2 =	sadd.s32 $0xFFFFF380, s30;
	s31 =	sshra.s32 s31, $0x2;
	[sflag:s22] =	ssyncadd.s32 $0xFFFF9C00  }
0x51: {  	[hbm4b:s2+s3] =	stream.linear.scatter [tilespmem:s17], [sflag:$0x7], $0x6400, $0x38;
	[tilespmem:$0x1F400] =	vst v63  }
0x52: {  	s2 =	sadd.s32 $0x320, s31  }
0x53: {  	[tilespmem:s13], [sflag:$0x1] =	stream.indirect.gather [hbm4b:s1+s12], $0x80, s2, s12, $0xb8;
	[tilespmem:$0x1F400] =	vst v63  }
0x54: {  	_ =	swait.ge [sflag:s23], $0x6400  }
0x55: {  	[sflag:s23] =	ssyncset.done $0x0  }
0x56: {  	[sflag:s23] =	ssyncadd.s32 $0xFFFF9C00  }
0x57: {  	_ =	swait.ge [sflag:s24], $0x6400  }
0x58: {  	[sflag:s24] =	ssyncset.done $0x0  }
0x59: {  	[sflag:s24] =	ssyncadd.s32 $0xFFFF9C00  }
0x5a: {  	[hbm4b:s30+s3] =	stream.linear.scatter [tilespmem:s20], [sflag:$0x8], $0x6400, $0x38;
	[tilespmem:$0x1F400] =	vst v63  }
0x5b: {  	s2 =	sadd.s32 $0x3E8, s31  }
0x5c: {  	[tilespmem:s14], [sflag:$0x2] =	stream.indirect.gather [hbm4b:s1+s12], $0x80, s2, s12, $0xb8;
	[tilespmem:$0x1F400] =	vst v63  }
0x5d: {  	_ =	swait.ge [sflag:s15], $0x6400  }
0x5e: {  	[sflag:s15] =	ssyncset.done $0x0  }
0x5f: {  	[sflag:s15] =	ssyncadd.s32 $0xFFFF9C00  }
0x60: {  	_ =	swait.ge [sflag:s25], $0x6400  }
0x61: {  	[sflag:s25] =	ssyncset.done $0x0  }
0x62: {  	s2 =	sadd.s32 $0xC80, s30;
	[sflag:s25] =	ssyncadd.s32 $0xFFFF9C00  }
0x63: {  	[hbm4b:s2+s3] =	stream.linear.scatter [tilespmem:s13], [sflag:$0x5], $0x6400, $0x38;
	[tilespmem:$0x1F400] =	vst v63  }
0x64: {  	s2 =	sadd.s32 $0x4B0, s31  }
0x65: {  	[tilespmem:s17], [sflag:$0x3] =	stream.indirect.gather [hbm4b:s1+s12], $0x80, s2, s12, $0xb8;
	[tilespmem:$0x1F400] =	vst v63  }
0x66: {  	_ =	swait.ge [sflag:s18], $0x6400  }
0x67: {  	[sflag:s18] =	ssyncset.done $0x0  }
0x68: {  	[sflag:s18] =	ssyncadd.s32 $0xFFFF9C00  }
.Ltmp0:
0x69: {  	_ =	swait.ge [sflag:s26], $0x6400;
	(pc) =	sbr.rel @p0 .LBB2_2-.Ltmp0, $4  }
0x6a: {  	[sflag:s26] =	ssyncset.done $0x0  }
0x6b: {  	s2 =	sadd.s32 $0x1900, s30;
	[sflag:s26] =	ssyncadd.s32 $0xFFFF9C00  }
0x6c: {  	[hbm4b:s2+s3] =	stream.linear.scatter [tilespmem:s14], [sflag:$0x6], $0x6400, $0x38;
	[tilespmem:$0x1F400] =	vst v63  }
0x6d: {  	s31 =	sadd.s32 $0x578, s31;
	s30 =	sadd.s32 $0x3200, s30  }
0x6e: {  	[tilespmem:s20], [sflag:$0x4] =	stream.indirect.gather [hbm4b:s1+s12], $0x80, s31, s12, $0xb8;
	[tilespmem:$0x1F400] =	vst v63  }
0x6f: {  	_ =	swait.ge [sflag:s21], $0x6400  }
0x70: {  	[sflag:s21] =	ssyncset.done $0x0  }
0x71: {  	[sflag:s21] =	ssyncadd.s32 $0xFFFF9C00  }
0x72: {  	_ =	swait.ge [sflag:s22], $0x6400  }
0x73: {  	[sflag:s22] =	ssyncset.done $0x0  }
0x74: {  	[sflag:s22] =	ssyncadd.s32 $0xFFFF9C00  }
0x75: {  	[hbm4b:s7+s3] =	stream.linear.scatter [tilespmem:s17], [sflag:$0x7], $0x6400, $0x38;
	[tilespmem:$0x1F400] =	vst v63  }
0x76: {  	_ =	swait.ge [sflag:s23], $0x6400  }
0x77: {  	[sflag:s23] =	ssyncset.done $0x0  }
0x78: {  	[sflag:s23] =	ssyncadd.s32 $0xFFFF9C00  }
0x79: {  	_ =	swait.ge [sflag:s24], $0x6400  }
0x7a: {  	[sflag:s24] =	ssyncset.done $0x0  }
0x7b: {  	s28 =	sadd.s32 $0x1, s28;
	[sflag:s24] =	ssyncadd.s32 $0xFFFF9C00  }
0x7c: {  	[hbm4b:s8+s3] =	stream.linear.scatter [tilespmem:s20], [sflag:$0x8], $0x6400, $0x38;
	[tilespmem:$0x1F400] =	vst v63  }
0x7d: {  	p0 =	sne.s32 s28, s9;
	_ =	swait.ge [sflag:s25], $0x6400  }
.Ltmp1:
0x7e: {  	[sflag:s25] =	ssyncset.done $0x0;
	(pc) =	sbr.rel @p0 .LBB2_1-.Ltmp1, $4  }
0x7f: {  	[sflag:s25] =	ssyncadd.s32 $0xFFFF9C00  }
0x80: {  	_ =	swait.ge [sflag:s26], $0x6400  }
0x81: {  	[sflag:s26] =	ssyncset.done $0x0  }
0x82: {  	[sflag:s26] =	ssyncadd.s32 $0xFFFF9C00  }
0x83: {  	_ =	sfence.sel $0x180000  }
0x84: {  	[bflag:$0x0] =	sbarrier.arrive $0xFFFF  }
0x85: {  	_ =	strace $0x90000047  }
0x86: {  	[bflag:$0x2] =	sbarrier.arrive $0xFFFF  }
0x87: {  	p0 =	sne.s32 s0, $0x0;
	s0 =	rddreg [dreg:$0x3]  }
0x88: {  	s0 =	sadd.s32 @!p0 $0x100000, s0  }
0x89: {  	[sflag:s0] =	ssyncadd.tile.s32 @!p0 $0x1;
	_ =	shalt  }
.Lfunc_end2:
_tile_overlayer_lowered:
.L_overlay_start_2:
0x8a: {  	(tag) =	ssettag $0x2  }
0x8b: {  	s0 =	rddreg [dreg:$0x0];
	s2 =	stileid.u32  }
0x8c: {  	s1 =	rddreg [dreg:$0x1];
	p0 =	sne.s32 s2, $0x0  }
0x8d: {  	s3 =	rddreg [dreg:$0x2];
	[bflag:$0x3] =	sbarrier.arrive $0xFFFF;
	s2 =	simm.s32 @!p0 $0x1C09  }
0x8e: {  	[timem:s3], [sflag:s2] =	dma.local @!p0 [hbm:s0], s1  }
0x8f: {  	s0 =	simm.s32 @!p0 $0x9  }
0x90: {  	_ =	swait.ge @!p0 [sflag:s0], s1  }
0x91: {  	s1 =	ssub.s32 @!p0 $0x0, s1;
	[sflag:s0] =	ssyncset.done @!p0 $0x0  }
0x92: {  	[sflag:s0] =	ssyncadd.s32 @!p0 s1  }
0x93: {  	[bflag:$0x3] =	sbarrier.arrive $0xFFFF  }
0x94: {  	_ =	shalt  }

</sc_bundles>
